<compile_context>
chip_gen: v7x
topology: tpu7x:2x2x1
jax: 0.10.2.dev20260603
libtpu: 0.0.44.dev20260713+nightly
codegen_flags: <defaults>
</compile_context>

<pallas_src>
import functools

import jax
import jax.numpy as jnp
from jax import lax
from jax.experimental import pallas as pl
from jax.experimental.pallas import tpu as pltpu
from jax.experimental.pallas import tpu_sc as plsc

_NW = 32
_L = 16


@functools.partial(jax.jit, static_argnames=("n_chunks",))
def _sc_gather(x, table, *, n_chunks):
    b, h = x.shape
    d = table.shape[1]
    b_per_w = b // _NW
    b_chunk = b_per_w // n_chunks
    n_per_w = b_per_w * h
    chunk = b_chunk * h
    mesh = plsc.VectorSubcoreMesh(core_axis_name="c", subcore_axis_name="s")

    @functools.partial(
        pl.kernel,
        mesh=mesh,
        out_type=jax.ShapeDtypeStruct((b, h, d), jnp.float32),
        scratch_types=[
            pltpu.VMEM((b_per_w, h), jnp.int32),
            pltpu.VMEM((n_per_w,), jnp.int32),
            pltpu.VMEM((2, chunk, d), jnp.float32),
            pltpu.SemaphoreType.DMA,
            pltpu.SemaphoreType.DMA,
            pltpu.SemaphoreType.DMA,
        ],
        compiler_params=pltpu.CompilerParams(use_tc_tiling_on_sc=False),
    )
    def k(x_hbm, table_hbm, out_hbm, idx2d_v, idx_v, rows_v, sem0, sem1,
          sem_s):
        sems = (sem0, sem1)
        wid = lax.axis_index("s") * 2 + lax.axis_index("c")
        base_b = wid * b_per_w
        pltpu.sync_copy(x_hbm.at[pl.ds(base_b, b_per_w), :], idx2d_v)

        col_offs = [c * _L for c in range(h // _L)] + [h - _L]

        def flatten_step(r, _):
            for c in col_offs:
                idx_v[pl.ds(r * h + c, _L)] = idx2d_v[r, pl.ds(c, _L)]
            return 0

        lax.fori_loop(0, b_per_w, flatten_step, 0)

        def start_gather(ch, s):
            pltpu.async_copy(table_hbm.at[idx_v.at[pl.ds(ch * chunk, chunk)]],
                             rows_v.at[s], sems[s])

        def wait_gather(s):
            pltpu.make_async_copy(
                table_hbm.at[idx_v.at[pl.ds(0, chunk)]],
                rows_v.at[s], sems[s]).wait()

        start_gather(0, 0)
        start_gather(1, 1)

        def pair_body(g, _):
            for s in (0, 1):
                ch = 2 * g + s
                wait_gather(s)
                bb0 = base_b + ch * b_chunk

                def fire(bb, _):
                    pltpu.async_copy(rows_v.at[s, pl.ds(bb * h, h), :],
                                     out_hbm.at[bb0 + bb], sem_s)
                    return 0

                lax.fori_loop(0, b_chunk, fire, 0)

                def drain(bb, _):
                    pltpu.make_async_copy(rows_v.at[s, pl.ds(0, h), :],
                                          out_hbm.at[base_b], sem_s).wait()
                    return 0

                lax.fori_loop(0, b_chunk, drain, 0)

                @pl.when(ch + 2 < n_chunks)
                def _():
                    start_gather(ch + 2, s)
            return 0

        lax.fori_loop(0, n_chunks // 2, pair_body, 0)

    return k(x, table)


def kernel(x, table):
    return _sc_gather(x, table, n_chunks=32)

# --- scband reference (transcript-rebuilt; emitter-appended) ---
"""Pipeline reference for scband-idembedding-47141561041144 (READ-ONLY COPY).

The authoritative reference and input builder live on the scoring server;
editing this copy changes nothing except your own understanding.
"""

import jax, jax.numpy as jnp
import numpy as np

NUM_IDS = 1000000
EMBED_DIM = 32
BATCH = 16384
HIST = 50

def setup_inputs(seed: int = 0) -> dict:
    key = jax.random.key(seed)
    k_idx, k_tab = jax.random.split(key)
    x = jax.random.randint(k_idx, (BATCH, HIST), 0, NUM_IDS, dtype=jnp.int64 if jax.config.jax_enable_x64 else jnp.int32)
    # nn.Embedding default init: N(0, 1)
    table = jax.random.normal(k_tab, (NUM_IDS, EMBED_DIM), dtype=jnp.float32)
    return {"x": x, "table": table}

def reference(x, table):
    # IDEmbedding.forward: self.embedding(x) -> gather rows of the table
    return jnp.take(table, x, axis=0)

if __name__ == "__main__":
    import jax
    _d = setup_inputs()
    print(jax.jit(kernel)(*tuple(_d.values())))

</pallas_src>

<mosaic_0001>
#map = affine_map<(d0, d1) -> (0, 0)>
#map1 = affine_map<(d0, d1) -> (0, 0, 0)>
module attributes {stable_mosaic.version = 14 : i64} {
  func.func @k(%arg0: i32, %arg1: i32, %arg2: memref<16384x50xi32, #tpu.memory_space<hbm>>, %arg3: memref<1000000x32xf32, #tpu.memory_space<hbm>>, %arg4: memref<16384x50x32xf32, #tpu.memory_space<hbm>>, %arg5: memref<512x50xi32, #tpu.memory_space<vmem>>, %arg6: memref<25600xi32, #tpu.memory_space<vmem>>, %arg7: memref<2x800x32xf32, #tpu.memory_space<vmem>>, %arg8: memref<!tpu.dma_semaphore, #tpu.memory_space<semaphore_mem>>, %arg9: memref<!tpu.dma_semaphore, #tpu.memory_space<semaphore_mem>>, %arg10: memref<!tpu.dma_semaphore, #tpu.memory_space<semaphore_mem>>) attributes {dimension_semantics = [#tpu.dimension_semantics<core_parallel>, #tpu.dimension_semantics<subcore_parallel>], iteration_bounds = array<i64: 2, 16>, scalar_prefetch = 0 : i64, scratch_operands = 6 : i64, tpu.core_type = #tpu.core_type<sc_vector_subcore>, window_params = [{transform_indices = #map}, {transform_indices = #map}, {transform_indices = #map1}]} {
    %mul3A = arith.constant 2 : i32
    %mul3A_0 = arith.muli %arg1, %mul3A : i32
    %add3A = arith.addi %mul3A_0, %arg0 : i32
    %mul3A_1 = arith.constant 512 : i32
    %mul3A_2 = arith.muli %add3A, %mul3A_1 : i32
    "tpu.region"() ({
      %run_scoped3A = tpu.sem_alloc : memref<!tpu.dma_semaphore, #tpu.memory_space<semaphore_mem>>
      %dma_start3A_35 = arith.constant 0 : i32
      %dma_start3A_36 = tpu.memref_slice %arg2[%mul3A_2, %dma_start3A_35] : memref<16384x50xi32, #tpu.memory_space<hbm>> -> memref<512x50xi32, #tpu.memory_space<hbm>>
      %dma_start3A_37 = arith.constant 0 : i32
      %dma_start3A_38 = tpu.memref_slice %arg2[%mul3A_2, %dma_start3A_37] : memref<16384x50xi32, #tpu.memory_space<hbm>> -> memref<512x50xi32, #tpu.memory_space<hbm>>
      tpu.enqueue_dma source(%dma_start3A_38 : memref<512x50xi32, #tpu.memory_space<hbm>>) target(%arg5 : memref<512x50xi32, #tpu.memory_space<vmem>>) target_semaphore(%run_scoped3A : memref<!tpu.dma_semaphore, #tpu.memory_space<semaphore_mem>>)
      %dma_wait3A = arith.constant 0 : i32
      %dma_wait3A_39 = tpu.memref_slice %arg2[%mul3A_2, %dma_wait3A] : memref<16384x50xi32, #tpu.memory_space<hbm>> -> memref<512x50xi32, #tpu.memory_space<hbm>>
      %dma_wait3A_40 = arith.constant 0 : i32
      %dma_wait3A_41 = tpu.memref_slice %arg2[%mul3A_2, %dma_wait3A_40] : memref<16384x50xi32, #tpu.memory_space<hbm>> -> memref<512x50xi32, #tpu.memory_space<hbm>>
      tpu.wait_dma2 semaphore(%run_scoped3A : memref<!tpu.dma_semaphore, #tpu.memory_space<semaphore_mem>>) src(%dma_wait3A_41 : memref<512x50xi32, #tpu.memory_space<hbm>>) dst(%arg5 : memref<512x50xi32, #tpu.memory_space<vmem>>)
      tpu.yield
    }) : () -> ()
    %scan3A = arith.constant 0 : i32
    %scan3A_3 = arith.constant 0 : i32
    %scan3A_4 = arith.constant 512 : i32
    %scan3A_5 = arith.addi %scan3A_3, %scan3A_4 : i32
    %scan3A_6 = arith.constant 1 : i32
    %scan3A_7 = scf.for %scan3A_35 = %scan3A_3 to %scan3A_5 step %scan3A_6 iter_args(%scan3A_36 = %scan3A) -> (i32)  : i32 {
      %get3A = arith.index_cast %scan3A_35 : i32 to index
      %get3A_37 = arith.constant 0 : index
      %get3A_38 = tpu.vector_load %arg5[%get3A, %get3A_37] {strides = array<i32>} : memref<512x50xi32, #tpu.memory_space<vmem>>, vector<1x16xi32>,
      %get3A_39 = vector.shape_cast %get3A_38 : vector<1x16xi32> to vector<16xi32>
      %mul3A_40 = arith.constant 50 : i32
      %mul3A_41 = arith.muli %scan3A_35, %mul3A_40 : i32
      %add3A_42 = arith.constant 0 : i32
      %add3A_43 = arith.addi %mul3A_41, %add3A_42 : i32
      %swap3A = arith.index_cast %add3A_43 : i32 to index
      %swap3A_44 = tpu.vector_load %arg6[%swap3A] {strides = array<i32>} : memref<25600xi32, #tpu.memory_space<vmem>>, vector<16xi32>,
      %swap3A_45 = vector.shape_cast %swap3A_44 : vector<16xi32> to vector<16xi32>
      %swap3A_46 = vector.shape_cast %get3A_39 : vector<16xi32> to vector<16xi32>
      tpu.vector_store %arg6[%swap3A], %swap3A_46 {strides = array<i32>} : memref<25600xi32, #tpu.memory_space<vmem>>, vector<16xi32>,
      %get3A_47 = arith.index_cast %scan3A_35 : i32 to index
      %get3A_48 = arith.constant 16 : index
      %get3A_49 = tpu.vector_load %arg5[%get3A_47, %get3A_48] {strides = array<i32>} : memref<512x50xi32, #tpu.memory_space<vmem>>, vector<1x16xi32>,
      %get3A_50 = vector.shape_cast %get3A_49 : vector<1x16xi32> to vector<16xi32>
      %mul3A_51 = arith.constant 50 : i32
      %mul3A_52 = arith.muli %scan3A_35, %mul3A_51 : i32
      %add3A_53 = arith.constant 16 : i32
      %add3A_54 = arith.addi %mul3A_52, %add3A_53 : i32
      %swap3A_55 = arith.index_cast %add3A_54 : i32 to index
      %swap3A_56 = tpu.vector_load %arg6[%swap3A_55] {strides = array<i32>} : memref<25600xi32, #tpu.memory_space<vmem>>, vector<16xi32>,
      %swap3A_57 = vector.shape_cast %swap3A_56 : vector<16xi32> to vector<16xi32>
      %swap3A_58 = vector.shape_cast %get3A_50 : vector<16xi32> to vector<16xi32>
      tpu.vector_store %arg6[%swap3A_55], %swap3A_58 {strides = array<i32>} : memref<25600xi32, #tpu.memory_space<vmem>>, vector<16xi32>,
      %get3A_59 = arith.index_cast %scan3A_35 : i32 to index
      %get3A_60 = arith.constant 32 : index
      %get3A_61 = tpu.vector_load %arg5[%get3A_59, %get3A_60] {strides = array<i32>} : memref<512x50xi32, #tpu.memory_space<vmem>>, vector<1x16xi32>,
      %get3A_62 = vector.shape_cast %get3A_61 : vector<1x16xi32> to vector<16xi32>
      %mul3A_63 = arith.constant 50 : i32
      %mul3A_64 = arith.muli %scan3A_35, %mul3A_63 : i32
      %add3A_65 = arith.constant 32 : i32
      %add3A_66 = arith.addi %mul3A_64, %add3A_65 : i32
      %swap3A_67 = arith.index_cast %add3A_66 : i32 to index
      %swap3A_68 = tpu.vector_load %arg6[%swap3A_67] {strides = array<i32>} : memref<25600xi32, #tpu.memory_space<vmem>>, vector<16xi32>,
      %swap3A_69 = vector.shape_cast %swap3A_68 : vector<16xi32> to vector<16xi32>
      %swap3A_70 = vector.shape_cast %get3A_62 : vector<16xi32> to vector<16xi32>
      tpu.vector_store %arg6[%swap3A_67], %swap3A_70 {strides = array<i32>} : memref<25600xi32, #tpu.memory_space<vmem>>, vector<16xi32>,
      %get3A_71 = arith.index_cast %scan3A_35 : i32 to index
      %get3A_72 = arith.constant 34 : index
      %get3A_73 = tpu.vector_load %arg5[%get3A_71, %get3A_72] {strides = array<i32>} : memref<512x50xi32, #tpu.memory_space<vmem>>, vector<1x16xi32>,
      %get3A_74 = vector.shape_cast %get3A_73 : vector<1x16xi32> to vector<16xi32>
      %mul3A_75 = arith.constant 50 : i32
      %mul3A_76 = arith.muli %scan3A_35, %mul3A_75 : i32
      %add3A_77 = arith.constant 34 : i32
      %add3A_78 = arith.addi %mul3A_76, %add3A_77 : i32
      %swap3A_79 = arith.index_cast %add3A_78 : i32 to index
      %swap3A_80 = tpu.vector_load %arg6[%swap3A_79] {strides = array<i32>} : memref<25600xi32, #tpu.memory_space<vmem>>, vector<16xi32>,
      %swap3A_81 = vector.shape_cast %swap3A_80 : vector<16xi32> to vector<16xi32>
      %swap3A_82 = vector.shape_cast %get3A_74 : vector<16xi32> to vector<16xi32>
      tpu.vector_store %arg6[%swap3A_79], %swap3A_82 {strides = array<i32>} : memref<25600xi32, #tpu.memory_space<vmem>>, vector<16xi32>,
      %scan3A_83 = arith.constant 0 : i32
      scf.yield %scan3A_83 : i32
    }
    %scan3A_8 = arith.constant 512 : i32
    %dma_start3A = arith.constant 0 : i32
    %dma_start3A_9 = arith.constant 0 : i32
    %dma_start3A_10 = arith.constant 0 : i32
    %dma_start3A_11 = tpu.memref_slice %arg7[%dma_start3A, %dma_start3A_9, %dma_start3A_10] : memref<2x800x32xf32, #tpu.memory_space<vmem>> -> memref<1x800x32xf32, #tpu.memory_space<vmem>>
    %dma_start3A_12 = tpu.memref_squeeze %dma_start3A_11 : memref<1x800x32xf32, #tpu.memory_space<vmem>> -> memref<800x32xf32, #tpu.memory_space<vmem>>
    %dma_start3A_13 = arith.constant 0 : i32
    %dma_start3A_14 = tpu.memref_slice %arg6[%dma_start3A_13] : memref<25600xi32, #tpu.memory_space<vmem>> -> memref<800xi32, #tpu.memory_space<vmem>>
    %dma_start3A_15 = arith.constant 0 : i32
    %dma_start3A_16 = arith.constant 0 : i32
    %dma_start3A_17 = tpu.memref_slice %arg3[%dma_start3A_15, %dma_start3A_16] : memref<1000000x32xf32, #tpu.memory_space<hbm>> -> memref<1000000x32xf32, #tpu.memory_space<hbm>>
    tpu.enqueue_indirect_dma source(%dma_start3A_17 : memref<1000000x32xf32, #tpu.memory_space<hbm>>) target(%dma_start3A_12 : memref<800x32xf32, #tpu.memory_space<vmem>>) offsets(%dma_start3A_14 : memref<800xi32, #tpu.memory_space<vmem>>) semaphore(%arg8 : memref<!tpu.dma_semaphore, #tpu.memory_space<semaphore_mem>>)
    %dma_start3A_18 = arith.constant 1 : i32
    %dma_start3A_19 = arith.constant 0 : i32
    %dma_start3A_20 = arith.constant 0 : i32
    %dma_start3A_21 = tpu.memref_slice %arg7[%dma_start3A_18, %dma_start3A_19, %dma_start3A_20] : memref<2x800x32xf32, #tpu.memory_space<vmem>> -> memref<1x800x32xf32, #tpu.memory_space<vmem>>
    %dma_start3A_22 = tpu.memref_squeeze %dma_start3A_21 : memref<1x800x32xf32, #tpu.memory_space<vmem>> -> memref<800x32xf32, #tpu.memory_space<vmem>>
    %dma_start3A_23 = arith.constant 800 : i32
    %dma_start3A_24 = tpu.memref_slice %arg6[%dma_start3A_23] : memref<25600xi32, #tpu.memory_space<vmem>> -> memref<800xi32, #tpu.memory_space<vmem>>
    %dma_start3A_25 = arith.constant 0 : i32
    %dma_start3A_26 = arith.constant 0 : i32
    %dma_start3A_27 = tpu.memref_slice %arg3[%dma_start3A_25, %dma_start3A_26] : memref<1000000x32xf32, #tpu.memory_space<hbm>> -> memref<1000000x32xf32, #tpu.memory_space<hbm>>
    tpu.enqueue_indirect_dma source(%dma_start3A_27 : memref<1000000x32xf32, #tpu.memory_space<hbm>>) target(%dma_start3A_22 : memref<800x32xf32, #tpu.memory_space<vmem>>) offsets(%dma_start3A_24 : memref<800xi32, #tpu.memory_space<vmem>>) semaphore(%arg9 : memref<!tpu.dma_semaphore, #tpu.memory_space<semaphore_mem>>)
    %scan3A_28 = arith.constant 0 : i32
    %scan3A_29 = arith.constant 0 : i32
    %scan3A_30 = arith.constant 16 : i32
    %scan3A_31 = arith.addi %scan3A_29, %scan3A_30 : i32
    %scan3A_32 = arith.constant 1 : i32
    %scan3A_33 = scf.for %scan3A_35 = %scan3A_29 to %scan3A_31 step %scan3A_32 iter_args(%scan3A_36 = %scan3A_28) -> (i32)  : i32 {
      %mul3A_37 = arith.constant 2 : i32
      %mul3A_38 = arith.muli %mul3A_37, %scan3A_35 : i32
      %add3A_39 = arith.constant 0 : i32
      %add3A_40 = arith.addi %mul3A_38, %add3A_39 : i32
      %dma_wait3A = arith.constant 0 : i32
      %dma_wait3A_41 = arith.constant 0 : i32
      %dma_wait3A_42 = arith.constant 0 : i32
      %dma_wait3A_43 = tpu.memref_slice %arg7[%dma_wait3A, %dma_wait3A_41, %dma_wait3A_42] : memref<2x800x32xf32, #tpu.memory_space<vmem>> -> memref<1x800x32xf32, #tpu.memory_space<vmem>>
      %dma_wait3A_44 = tpu.memref_squeeze %dma_wait3A_43 : memref<1x800x32xf32, #tpu.memory_space<vmem>> -> memref<800x32xf32, #tpu.memory_space<vmem>>
      %dma_wait3A_45 = arith.constant 0 : i32
      %dma_wait3A_46 = tpu.memref_slice %arg6[%dma_wait3A_45] : memref<25600xi32, #tpu.memory_space<vmem>> -> memref<800xi32, #tpu.memory_space<vmem>>
      %dma_wait3A_47 = arith.constant 0 : i32
      %dma_wait3A_48 = arith.constant 0 : i32
      %dma_wait3A_49 = tpu.memref_slice %arg3[%dma_wait3A_47, %dma_wait3A_48] : memref<1000000x32xf32, #tpu.memory_space<hbm>> -> memref<1000000x32xf32, #tpu.memory_space<hbm>>
      tpu.wait_indirect_dma semaphore(%arg8 : memref<!tpu.dma_semaphore, #tpu.memory_space<semaphore_mem>>) src(%dma_wait3A_49 : memref<1000000x32xf32, #tpu.memory_space<hbm>>) dst(%dma_wait3A_44 : memref<800x32xf32, #tpu.memory_space<vmem>>)
      %mul3A_50 = arith.constant 16 : i32
      %mul3A_51 = arith.muli %add3A_40, %mul3A_50 : i32
      %add3A_52 = arith.addi %mul3A_2, %mul3A_51 : i32
      %scan3A_53 = arith.constant 0 : i32
      %scan3A_54 = arith.constant 0 : i32
      %scan3A_55 = arith.constant 16 : i32
      %scan3A_56 = arith.addi %scan3A_54, %scan3A_55 : i32
      %scan3A_57 = arith.constant 1 : i32
      %scan3A_58 = scf.for %scan3A_110 = %scan3A_54 to %scan3A_56 step %scan3A_57 iter_args(%scan3A_111 = %scan3A_53) -> (i32)  : i32 {
        %mul3A_112 = arith.constant 50 : i32
        %mul3A_113 = arith.muli %scan3A_110, %mul3A_112 : i32
        %add3A_114 = arith.addi %add3A_52, %scan3A_110 : i32
        %dma_start3A_115 = arith.constant 0 : i32
        %dma_start3A_116 = arith.constant 0 : i32
        %dma_start3A_117 = tpu.memref_slice %arg7[%dma_start3A_115, %mul3A_113, %dma_start3A_116] : memref<2x800x32xf32, #tpu.memory_space<vmem>> -> memref<1x50x32xf32, #tpu.memory_space<vmem>>
        %dma_start3A_118 = tpu.memref_squeeze %dma_start3A_117 : memref<1x50x32xf32, #tpu.memory_space<vmem>> -> memref<50x32xf32, #tpu.memory_space<vmem>>
        %dma_start3A_119 = arith.constant 0 : i32
        %dma_start3A_120 = arith.constant 0 : i32
        %dma_start3A_121 = tpu.memref_slice %arg4[%add3A_114, %dma_start3A_119, %dma_start3A_120] : memref<16384x50x32xf32, #tpu.memory_space<hbm>> -> memref<1x50x32xf32, #tpu.memory_space<hbm>>
        %dma_start3A_122 = tpu.memref_squeeze %dma_start3A_121 : memref<1x50x32xf32, #tpu.memory_space<hbm>> -> memref<50x32xf32, #tpu.memory_space<hbm>>
        %dma_start3A_123 = arith.constant 0 : i32
        %dma_start3A_124 = arith.constant 0 : i32
        %dma_start3A_125 = tpu.memref_slice %arg4[%add3A_114, %dma_start3A_123, %dma_start3A_124] : memref<16384x50x32xf32, #tpu.memory_space<hbm>> -> memref<1x50x32xf32, #tpu.memory_space<hbm>>
        %dma_start3A_126 = tpu.memref_squeeze %dma_start3A_125 : memref<1x50x32xf32, #tpu.memory_space<hbm>> -> memref<50x32xf32, #tpu.memory_space<hbm>>
        %dma_start3A_127 = arith.constant 0 : i32
        %dma_start3A_128 = tpu.memref_slice %arg7[%dma_start3A_115, %mul3A_113, %dma_start3A_127] : memref<2x800x32xf32, #tpu.memory_space<vmem>> -> memref<1x50x32xf32, #tpu.memory_space<vmem>>
        %dma_start3A_129 = tpu.memref_squeeze %dma_start3A_128 : memref<1x50x32xf32, #tpu.memory_space<vmem>> -> memref<50x32xf32, #tpu.memory_space<vmem>>
        tpu.enqueue_dma source(%dma_start3A_129 : memref<50x32xf32, #tpu.memory_space<vmem>>) target(%dma_start3A_126 : memref<50x32xf32, #tpu.memory_space<hbm>>) target_semaphore(%arg10 : memref<!tpu.dma_semaphore, #tpu.memory_space<semaphore_mem>>)
        %scan3A_130 = arith.constant 0 : i32
        scf.yield %scan3A_130 : i32
      }
      %scan3A_59 = arith.constant 16 : i32
      %scan3A_60 = arith.constant 0 : i32
      %scan3A_61 = arith.constant 0 : i32
      %scan3A_62 = arith.constant 16 : i32
      %scan3A_63 = arith.addi %scan3A_61, %scan3A_62 : i32
      %scan3A_64 = arith.constant 1 : i32
      %scan3A_65 = scf.for %scan3A_110 = %scan3A_61 to %scan3A_63 step %scan3A_64 iter_args(%scan3A_111 = %scan3A_60) -> (i32)  : i32 {
        %dma_wait3A_112 = arith.constant 0 : i32
        %dma_wait3A_113 = arith.constant 0 : i32
        %dma_wait3A_114 = arith.constant 0 : i32
        %dma_wait3A_115 = tpu.memref_slice %arg7[%dma_wait3A_112, %dma_wait3A_113, %dma_wait3A_114] : memref<2x800x32xf32, #tpu.memory_space<vmem>> -> memref<1x50x32xf32, #tpu.memory_space<vmem>>
        %dma_wait3A_116 = tpu.memref_squeeze %dma_wait3A_115 : memref<1x50x32xf32, #tpu.memory_space<vmem>> -> memref<50x32xf32, #tpu.memory_space<vmem>>
        %dma_wait3A_117 = arith.constant 0 : i32
        %dma_wait3A_118 = arith.constant 0 : i32
        %dma_wait3A_119 = tpu.memref_slice %arg4[%mul3A_2, %dma_wait3A_117, %dma_wait3A_118] : memref<16384x50x32xf32, #tpu.memory_space<hbm>> -> memref<1x50x32xf32, #tpu.memory_space<hbm>>
        %dma_wait3A_120 = tpu.memref_squeeze %dma_wait3A_119 : memref<1x50x32xf32, #tpu.memory_space<hbm>> -> memref<50x32xf32, #tpu.memory_space<hbm>>
        %dma_wait3A_121 = arith.constant 0 : i32
        %dma_wait3A_122 = arith.constant 0 : i32
        %dma_wait3A_123 = tpu.memref_slice %arg4[%mul3A_2, %dma_wait3A_121, %dma_wait3A_122] : memref<16384x50x32xf32, #tpu.memory_space<hbm>> -> memref<1x50x32xf32, #tpu.memory_space<hbm>>
        %dma_wait3A_124 = tpu.memref_squeeze %dma_wait3A_123 : memref<1x50x32xf32, #tpu.memory_space<hbm>> -> memref<50x32xf32, #tpu.memory_space<hbm>>
        %dma_wait3A_125 = arith.constant 0 : i32
        %dma_wait3A_126 = arith.constant 0 : i32
        %dma_wait3A_127 = tpu.memref_slice %arg7[%dma_wait3A_112, %dma_wait3A_125, %dma_wait3A_126] : memref<2x800x32xf32, #tpu.memory_space<vmem>> -> memref<1x50x32xf32, #tpu.memory_space<vmem>>
        %dma_wait3A_128 = tpu.memref_squeeze %dma_wait3A_127 : memref<1x50x32xf32, #tpu.memory_space<vmem>> -> memref<50x32xf32, #tpu.memory_space<vmem>>
        tpu.wait_dma2 semaphore(%arg10 : memref<!tpu.dma_semaphore, #tpu.memory_space<semaphore_mem>>) src(%dma_wait3A_128 : memref<50x32xf32, #tpu.memory_space<vmem>>) dst(%dma_wait3A_124 : memref<50x32xf32, #tpu.memory_space<hbm>>)
        %scan3A_129 = arith.constant 0 : i32
        scf.yield %scan3A_129 : i32
      }
      %scan3A_66 = arith.constant 16 : i32
      %add3A_67 = arith.constant 2 : i32
      %add3A_68 = arith.addi %add3A_40, %add3A_67 : i32
      %lt3A = arith.constant 32 : i32
      %lt3A_69 = arith.cmpi slt, %add3A_68, %lt3A : i32
      %convert_element_type3A = arith.extui %lt3A_69 : i1 to i32
      %cond3A = arith.constant 0 : i32
      %cond3A_70 = arith.cmpi ne, %convert_element_type3A, %cond3A : i32
      scf.if %cond3A_70 {
        %add3A_110 = arith.constant 2 : i32
        %add3A_111 = arith.addi %add3A_40, %add3A_110 : i32
        %mul3A_112 = arith.constant 800 : i32
        %mul3A_113 = arith.muli %add3A_111, %mul3A_112 : i32
        %dma_start3A_114 = arith.constant 0 : i32
        %dma_start3A_115 = arith.constant 0 : i32
        %dma_start3A_116 = arith.constant 0 : i32
        %dma_start3A_117 = tpu.memref_slice %arg7[%dma_start3A_114, %dma_start3A_115, %dma_start3A_116] : memref<2x800x32xf32, #tpu.memory_space<vmem>> -> memref<1x800x32xf32, #tpu.memory_space<vmem>>
        %dma_start3A_118 = tpu.memref_squeeze %dma_start3A_117 : memref<1x800x32xf32, #tpu.memory_space<vmem>> -> memref<800x32xf32, #tpu.memory_space<vmem>>
        %dma_start3A_119 = tpu.memref_slice %arg6[%mul3A_113] : memref<25600xi32, #tpu.memory_space<vmem>> -> memref<800xi32, #tpu.memory_space<vmem>>
        %dma_start3A_120 = arith.constant 0 : i32
        %dma_start3A_121 = arith.constant 0 : i32
        %dma_start3A_122 = tpu.memref_slice %arg3[%dma_start3A_120, %dma_start3A_121] : memref<1000000x32xf32, #tpu.memory_space<hbm>> -> memref<1000000x32xf32, #tpu.memory_space<hbm>>
        tpu.enqueue_indirect_dma source(%dma_start3A_122 : memref<1000000x32xf32, #tpu.memory_space<hbm>>) target(%dma_start3A_118 : memref<800x32xf32, #tpu.memory_space<vmem>>) offsets(%dma_start3A_119 : memref<800xi32, #tpu.memory_space<vmem>>) semaphore(%arg8 : memref<!tpu.dma_semaphore, #tpu.memory_space<semaphore_mem>>)
      } else {
      }
      %mul3A_71 = arith.constant 2 : i32
      %mul3A_72 = arith.muli %mul3A_71, %scan3A_35 : i32
      %add3A_73 = arith.constant 1 : i32
      %add3A_74 = arith.addi %mul3A_72, %add3A_73 : i32
      %dma_wait3A_75 = arith.constant 1 : i32
      %dma_wait3A_76 = arith.constant 0 : i32
      %dma_wait3A_77 = arith.constant 0 : i32
      %dma_wait3A_78 = tpu.memref_slice %arg7[%dma_wait3A_75, %dma_wait3A_76, %dma_wait3A_77] : memref<2x800x32xf32, #tpu.memory_space<vmem>> -> memref<1x800x32xf32, #tpu.memory_space<vmem>>
      %dma_wait3A_79 = tpu.memref_squeeze %dma_wait3A_78 : memref<1x800x32xf32, #tpu.memory_space<vmem>> -> memref<800x32xf32, #tpu.memory_space<vmem>>
      %dma_wait3A_80 = arith.constant 0 : i32
      %dma_wait3A_81 = tpu.memref_slice %arg6[%dma_wait3A_80] : memref<25600xi32, #tpu.memory_space<vmem>> -> memref<800xi32, #tpu.memory_space<vmem>>
      %dma_wait3A_82 = arith.constant 0 : i32
      %dma_wait3A_83 = arith.constant 0 : i32
      %dma_wait3A_84 = tpu.memref_slice %arg3[%dma_wait3A_82, %dma_wait3A_83] : memref<1000000x32xf32, #tpu.memory_space<hbm>> -> memref<1000000x32xf32, #tpu.memory_space<hbm>>
      tpu.wait_indirect_dma semaphore(%arg9 : memref<!tpu.dma_semaphore, #tpu.memory_space<semaphore_mem>>) src(%dma_wait3A_84 : memref<1000000x32xf32, #tpu.memory_space<hbm>>) dst(%dma_wait3A_79 : memref<800x32xf32, #tpu.memory_space<vmem>>)
      %mul3A_85 = arith.constant 16 : i32
      %mul3A_86 = arith.muli %add3A_74, %mul3A_85 : i32
      %add3A_87 = arith.addi %mul3A_2, %mul3A_86 : i32
      %scan3A_88 = arith.constant 0 : i32
      %scan3A_89 = arith.constant 0 : i32
      %scan3A_90 = arith.constant 16 : i32
      %scan3A_91 = arith.addi %scan3A_89, %scan3A_90 : i32
      %scan3A_92 = arith.constant 1 : i32
      %scan3A_93 = scf.for %scan3A_110 = %scan3A_89 to %scan3A_91 step %scan3A_92 iter_args(%scan3A_111 = %scan3A_88) -> (i32)  : i32 {
        %mul3A_112 = arith.constant 50 : i32
        %mul3A_113 = arith.muli %scan3A_110, %mul3A_112 : i32
        %add3A_114 = arith.addi %add3A_87, %scan3A_110 : i32
        %dma_start3A_115 = arith.constant 1 : i32
        %dma_start3A_116 = arith.constant 0 : i32
        %dma_start3A_117 = tpu.memref_slice %arg7[%dma_start3A_115, %mul3A_113, %dma_start3A_116] : memref<2x800x32xf32, #tpu.memory_space<vmem>> -> memref<1x50x32xf32, #tpu.memory_space<vmem>>
        %dma_start3A_118 = tpu.memref_squeeze %dma_start3A_117 : memref<1x50x32xf32, #tpu.memory_space<vmem>> -> memref<50x32xf32, #tpu.memory_space<vmem>>
        %dma_start3A_119 = arith.constant 0 : i32
        %dma_start3A_120 = arith.constant 0 : i32
        %dma_start3A_121 = tpu.memref_slice %arg4[%add3A_114, %dma_start3A_119, %dma_start3A_120] : memref<16384x50x32xf32, #tpu.memory_space<hbm>> -> memref<1x50x32xf32, #tpu.memory_space<hbm>>
        %dma_start3A_122 = tpu.memref_squeeze %dma_start3A_121 : memref<1x50x32xf32, #tpu.memory_space<hbm>> -> memref<50x32xf32, #tpu.memory_space<hbm>>
        %dma_start3A_123 = arith.constant 0 : i32
        %dma_start3A_124 = arith.constant 0 : i32
        %dma_start3A_125 = tpu.memref_slice %arg4[%add3A_114, %dma_start3A_123, %dma_start3A_124] : memref<16384x50x32xf32, #tpu.memory_space<hbm>> -> memref<1x50x32xf32, #tpu.memory_space<hbm>>
        %dma_start3A_126 = tpu.memref_squeeze %dma_start3A_125 : memref<1x50x32xf32, #tpu.memory_space<hbm>> -> memref<50x32xf32, #tpu.memory_space<hbm>>
        %dma_start3A_127 = arith.constant 0 : i32
        %dma_start3A_128 = tpu.memref_slice %arg7[%dma_start3A_115, %mul3A_113, %dma_start3A_127] : memref<2x800x32xf32, #tpu.memory_space<vmem>> -> memref<1x50x32xf32, #tpu.memory_space<vmem>>
        %dma_start3A_129 = tpu.memref_squeeze %dma_start3A_128 : memref<1x50x32xf32, #tpu.memory_space<vmem>> -> memref<50x32xf32, #tpu.memory_space<vmem>>
        tpu.enqueue_dma source(%dma_start3A_129 : memref<50x32xf32, #tpu.memory_space<vmem>>) target(%dma_start3A_126 : memref<50x32xf32, #tpu.memory_space<hbm>>) target_semaphore(%arg10 : memref<!tpu.dma_semaphore, #tpu.memory_space<semaphore_mem>>)
        %scan3A_130 = arith.constant 0 : i32
        scf.yield %scan3A_130 : i32
      }
      %scan3A_94 = arith.constant 16 : i32
      %scan3A_95 = arith.constant 0 : i32
      %scan3A_96 = arith.constant 0 : i32
      %scan3A_97 = arith.constant 16 : i32
      %scan3A_98 = arith.addi %scan3A_96, %scan3A_97 : i32
      %scan3A_99 = arith.constant 1 : i32
      %scan3A_100 = scf.for %scan3A_110 = %scan3A_96 to %scan3A_98 step %scan3A_99 iter_args(%scan3A_111 = %scan3A_95) -> (i32)  : i32 {
        %dma_wait3A_112 = arith.constant 1 : i32
        %dma_wait3A_113 = arith.constant 0 : i32
        %dma_wait3A_114 = arith.constant 0 : i32
        %dma_wait3A_115 = tpu.memref_slice %arg7[%dma_wait3A_112, %dma_wait3A_113, %dma_wait3A_114] : memref<2x800x32xf32, #tpu.memory_space<vmem>> -> memref<1x50x32xf32, #tpu.memory_space<vmem>>
        %dma_wait3A_116 = tpu.memref_squeeze %dma_wait3A_115 : memref<1x50x32xf32, #tpu.memory_space<vmem>> -> memref<50x32xf32, #tpu.memory_space<vmem>>
        %dma_wait3A_117 = arith.constant 0 : i32
        %dma_wait3A_118 = arith.constant 0 : i32
        %dma_wait3A_119 = tpu.memref_slice %arg4[%mul3A_2, %dma_wait3A_117, %dma_wait3A_118] : memref<16384x50x32xf32, #tpu.memory_space<hbm>> -> memref<1x50x32xf32, #tpu.memory_space<hbm>>
        %dma_wait3A_120 = tpu.memref_squeeze %dma_wait3A_119 : memref<1x50x32xf32, #tpu.memory_space<hbm>> -> memref<50x32xf32, #tpu.memory_space<hbm>>
        %dma_wait3A_121 = arith.constant 0 : i32
        %dma_wait3A_122 = arith.constant 0 : i32
        %dma_wait3A_123 = tpu.memref_slice %arg4[%mul3A_2, %dma_wait3A_121, %dma_wait3A_122] : memref<16384x50x32xf32, #tpu.memory_space<hbm>> -> memref<1x50x32xf32, #tpu.memory_space<hbm>>
        %dma_wait3A_124 = tpu.memref_squeeze %dma_wait3A_123 : memref<1x50x32xf32, #tpu.memory_space<hbm>> -> memref<50x32xf32, #tpu.memory_space<hbm>>
        %dma_wait3A_125 = arith.constant 0 : i32
        %dma_wait3A_126 = arith.constant 0 : i32
        %dma_wait3A_127 = tpu.memref_slice %arg7[%dma_wait3A_112, %dma_wait3A_125, %dma_wait3A_126] : memref<2x800x32xf32, #tpu.memory_space<vmem>> -> memref<1x50x32xf32, #tpu.memory_space<vmem>>
        %dma_wait3A_128 = tpu.memref_squeeze %dma_wait3A_127 : memref<1x50x32xf32, #tpu.memory_space<vmem>> -> memref<50x32xf32, #tpu.memory_space<vmem>>
        tpu.wait_dma2 semaphore(%arg10 : memref<!tpu.dma_semaphore, #tpu.memory_space<semaphore_mem>>) src(%dma_wait3A_128 : memref<50x32xf32, #tpu.memory_space<vmem>>) dst(%dma_wait3A_124 : memref<50x32xf32, #tpu.memory_space<hbm>>)
        %scan3A_129 = arith.constant 0 : i32
        scf.yield %scan3A_129 : i32
      }
      %scan3A_101 = arith.constant 16 : i32
      %add3A_102 = arith.constant 2 : i32
      %add3A_103 = arith.addi %add3A_74, %add3A_102 : i32
      %lt3A_104 = arith.constant 32 : i32
      %lt3A_105 = arith.cmpi slt, %add3A_103, %lt3A_104 : i32
      %convert_element_type3A_106 = arith.extui %lt3A_105 : i1 to i32
      %cond3A_107 = arith.constant 0 : i32
      %cond3A_108 = arith.cmpi ne, %convert_element_type3A_106, %cond3A_107 : i32
      scf.if %cond3A_108 {
        %add3A_110 = arith.constant 2 : i32
        %add3A_111 = arith.addi %add3A_74, %add3A_110 : i32
        %mul3A_112 = arith.constant 800 : i32
        %mul3A_113 = arith.muli %add3A_111, %mul3A_112 : i32
        %dma_start3A_114 = arith.constant 1 : i32
        %dma_start3A_115 = arith.constant 0 : i32
        %dma_start3A_116 = arith.constant 0 : i32
        %dma_start3A_117 = tpu.memref_slice %arg7[%dma_start3A_114, %dma_start3A_115, %dma_start3A_116] : memref<2x800x32xf32, #tpu.memory_space<vmem>> -> memref<1x800x32xf32, #tpu.memory_space<vmem>>
        %dma_start3A_118 = tpu.memref_squeeze %dma_start3A_117 : memref<1x800x32xf32, #tpu.memory_space<vmem>> -> memref<800x32xf32, #tpu.memory_space<vmem>>
        %dma_start3A_119 = tpu.memref_slice %arg6[%mul3A_113] : memref<25600xi32, #tpu.memory_space<vmem>> -> memref<800xi32, #tpu.memory_space<vmem>>
        %dma_start3A_120 = arith.constant 0 : i32
        %dma_start3A_121 = arith.constant 0 : i32
        %dma_start3A_122 = tpu.memref_slice %arg3[%dma_start3A_120, %dma_start3A_121] : memref<1000000x32xf32, #tpu.memory_space<hbm>> -> memref<1000000x32xf32, #tpu.memory_space<hbm>>
        tpu.enqueue_indirect_dma source(%dma_start3A_122 : memref<1000000x32xf32, #tpu.memory_space<hbm>>) target(%dma_start3A_118 : memref<800x32xf32, #tpu.memory_space<vmem>>) offsets(%dma_start3A_119 : memref<800xi32, #tpu.memory_space<vmem>>) semaphore(%arg9 : memref<!tpu.dma_semaphore, #tpu.memory_space<semaphore_mem>>)
      } else {
      }
      %scan3A_109 = arith.constant 0 : i32
      scf.yield %scan3A_109 : i32
    }
    %scan3A_34 = arith.constant 16 : i32
    return
  }
}

</mosaic_0001>

<sc_bundles>
// kernel: _sc_gather.3.cloned.1.call-start
scs
__scs_entry_jumppad:
0x0: {  	(pc) =	sbr.rel $0x88, $3  }
0x1: {  	(tag) =	ssettag $0x0;
	lr =	simm.s32 $0x1  }
0x2: {  	[smem:$0x3F9F] =	sst lr;
	_ =	strace $0xD0000000  }
0x3: {  	_ = 	snop  }
0x4: {  	_ = 	snop  }
0x5: {  	_ = 	snop  }
0x6: {  	_ = 	snop  }
0x7: {  	_ = 	snop  }
__scs_overlays_trampoline_lowered:
0x8: {  	[smem:$0x3FAE] =	sst s0  }
0x9: {  	[smem:$0x3FAF] =	sst s1  }
0xa: {  	[smem:$0x3FB0] =	sst s2  }
0xb: {  	[smem:$0x3FB1] =	sst s3  }
0xc: {  	[smem:$0x3FB2] =	sst s4  }
0xd: {  	[smem:$0x3FB3] =	sst s5  }
0xe: {  	[smem:$0x3FB4] =	sst s6  }
0xf: {  	[smem:$0x3FB5] =	sst s7  }
0x10: {  	[smem:$0x3FB6] =	sst s8  }
0x11: {  	[smem:$0x3FB7] =	sst s9;
	s0 =	simm.s32 @!p0 $0x0  }
0x12: {  	s1 =	sld [smem:$0x3F9D];
	s0 =	simm.s32 @p0 $0x1  }
0x13: {  	[smem:$0x3FB8] =	sst s0;
	s0 =	simm.s32 @!p1 $0x0  }
0x14: {  	s2 =	sld [smem:$0x3F9C];
	s0 =	simm.s32 @p1 $0x1  }
0x15: {  	[smem:$0x3FB9] =	sst s0;
	s0 =	simm.s32 @!p2 $0x0  }
0x16: {  	s3 =	sld [smem:$0x3FDB];
	s0 =	simm.s32 @p2 $0x1  }
0x17: {  	s4 =	simm.s32 $0x1BF5;
	[smem:$0x3FBB] =	sst s0  }
0x18: {  	s0 =	sld [smem:$0x3F9E];
	_ =	swait.ge [sflag:s4], $0x0  }
0x19: {  	s7 =	sld [smem:$0x3F9F]  }
0x1a: {  	s8 =	sadd.s32 $0xFFFFE003, lr  }
0x1b: {  	s9 =	sadd.s32 $0xFFFFFEF7, lr;
	s5 =	simm.s32 $0xFFFFFFFF;
	p2 =	slt.u32 s8, $0xFFFFF086  }
0x1c: {  	p1 =	slt.u32 s9, $0xF7A;
	s5 =	simm.s32 @!p2 $0x0  }
0x1d: {  	s5 =	simm.s32 @p1 $0x1;
	p0 =	seq.s32 s7, s2  }
0x1e: {  	s7 =	smul.u32 @!p0 $0xF7A, s2;
	p2 =	seq.s32 @!p0 s5, $0x0  }
0x1f: {  	s9 =	smul.u32 $0xF7A, s1;
	s8 =	simm.s32 @!p0 $0x1BF5;
	p2 =	por !p2, p0  }
0x20: {  	[sflag:s8] =	ssyncset.s32 @!p0 $0xFFFFF086;
	s6 =	sadd.s32 @!p0 s3, s7;
	s7 =	simm.s32 @!p0 $0x108  }
0x21: {  	s3 =	sadd.s32 s3, s9;
	s6 =	sadd.s32 @!p0 $0x88, s6;
	s7 =	simm.s32 @p2 $0x1082  }
0x22: {  	[simem:s7], [sflag:s8] =	dma.local @!p0 [hbm:s6], $0xF7A  }
0x23: {  	s9 =	sor.u32 $0xD0000000, s2;
	s6 =	simm.s32 $0x108;
	_ =	swait.ge @!p0 [sflag:s8], $0x0  }
0x24: {  	s3 =	sadd.s32 $0x88, s3;
	s6 =	simm.s32 @!p1 $0x1082;
	[sflag:s4] =	ssyncset.s32 $0xFFFFF086  }
0x25: {  	[simem:s6], [sflag:s4] =	dma.local [hbm:s3], $0xF7A  }
0x26: {  	[smem:$0x3F9F] =	sst s1;
	(tag) =	ssettag s2;
	_ =	strace s9  }
0x27: {  	s1 =	sld [smem:$0x3FAF]  }
0x28: {  	s2 =	sld [smem:$0x3FB0]  }
0x29: {  	s4 =	sld [smem:$0x3FB2]  }
0x2a: {  	p0 =	seq.s32 s5, $0x0;
	s5 =	sld [smem:$0x3FB3]  }
0x2b: {  	s6 =	sld [smem:$0x3FB4]  }
0x2c: {  	s7 =	sld [smem:$0x3FB5]  }
0x2d: {  	s3 =	simm.s32 $0x108;
	s8 =	sld [smem:$0x3FB6]  }
0x2e: {  	s3 =	simm.s32 @!p0 $0x1082;
	s9 =	sld [smem:$0x3FB7]  }
0x2f: {  	lr =	sadd.s32 s0, s3;
	s0 =	sld [smem:$0x3FAE]  }
0x30: {  	s3 =	sld [smem:$0x3FB1]  }
0x31: {  	[smem:$0x3FBA] =	sst s10  }
0x32: {  	s10 =	sld [smem:$0x3FB8];
	_ =	sdelay $0x3  }
0x33: {  	p0 =	seq.s32 s10, $0x1;
	s10 =	sld [smem:$0x3FBA];
	_ =	sdelay $0x3  }
0x34: {  	[smem:$0x3FBA] =	sst s10  }
0x35: {  	s10 =	sld [smem:$0x3FB9];
	_ =	sdelay $0x3  }
0x36: {  	p1 =	seq.s32 s10, $0x1;
	s10 =	sld [smem:$0x3FBA];
	_ =	sdelay $0x3  }
0x37: {  	[smem:$0x3FBA] =	sst s10  }
0x38: {  	s10 =	sld [smem:$0x3FBB]  }
0x39: {  	_ = 	snop;
	(pc) =	sbr.ind lr, $3  }
0x3a: {  	_ = 	snop  }
0x3b: {  	_ = 	snop  }
0x3c: {  	p2 =	seq.s32 s10, $0x1;
	s10 =	sld [smem:$0x3FBA]  }
0x3d: {  	_ =	shalt  }
0x3e: {  	_ =	shalt  }
0x3f: {  	_ =	shalt  }
0x40: {  	_ =	shalt  }
0x41: {  	_ =	shalt  }
0x42: {  	_ =	shalt  }
0x43: {  	_ =	shalt  }
0x44: {  	_ =	shalt  }
0x45: {  	_ =	shalt  }
0x46: {  	_ =	shalt  }
0x47: {  	_ =	shalt  }
0x48: {  	_ =	shalt  }
0x49: {  	_ =	shalt  }
0x4a: {  	_ =	shalt  }
0x4b: {  	_ =	shalt  }
0x4c: {  	_ =	shalt  }
0x4d: {  	_ =	shalt  }
0x4e: {  	_ =	shalt  }
0x4f: {  	_ =	shalt  }
0x50: {  	_ =	shalt  }
0x51: {  	_ =	shalt  }
0x52: {  	_ =	shalt  }
0x53: {  	_ =	shalt  }
0x54: {  	_ =	shalt  }
0x55: {  	_ =	shalt  }
0x56: {  	_ =	shalt  }
0x57: {  	_ =	shalt  }
0x58: {  	_ =	shalt  }
0x59: {  	_ =	shalt  }
0x5a: {  	_ =	shalt  }
0x5b: {  	_ =	shalt  }
0x5c: {  	_ =	shalt  }
0x5d: {  	_ =	shalt  }
0x5e: {  	_ =	shalt  }
0x5f: {  	_ =	shalt  }
0x60: {  	_ =	shalt  }
0x61: {  	_ =	shalt  }
0x62: {  	_ =	shalt  }
0x63: {  	_ =	shalt  }
0x64: {  	_ =	shalt  }
0x65: {  	_ =	shalt  }
0x66: {  	_ =	shalt  }
0x67: {  	_ =	shalt  }
0x68: {  	_ =	shalt  }
0x69: {  	_ =	shalt  }
0x6a: {  	_ =	shalt  }
0x6b: {  	_ =	shalt  }
0x6c: {  	_ =	shalt  }
0x6d: {  	_ =	shalt  }
0x6e: {  	_ =	shalt  }
0x6f: {  	_ =	shalt  }
0x70: {  	_ =	shalt  }
0x71: {  	_ =	shalt  }
0x72: {  	_ =	shalt  }
0x73: {  	_ =	shalt  }
0x74: {  	_ =	shalt  }
0x75: {  	_ =	shalt  }
0x76: {  	_ =	shalt  }
0x77: {  	_ =	shalt  }
0x78: {  	_ =	shalt  }
0x79: {  	_ =	shalt  }
0x7a: {  	_ =	shalt  }
0x7b: {  	_ =	shalt  }
0x7c: {  	_ =	shalt  }
0x7d: {  	_ =	shalt  }
0x7e: {  	_ =	shalt  }
0x7f: {  	_ =	shalt  }
0x80: {  	_ =	shalt  }
0x81: {  	_ =	shalt  }
0x82: {  	_ =	shalt  }
0x83: {  	_ =	shalt  }
0x84: {  	_ =	shalt  }
0x85: {  	_ =	shalt  }
0x86: {  	_ =	shalt  }
0x87: {  	_ =	shalt  }
.Lfunc_end0:
.L_simem_size_0:
called_computation.1_lowered:
.L_overlay_start_0:
0x88: {  	s2 =	sld [smem:$0x3FD9]  }
0x89: {  	s3 =	sld [smem:$0x3FFE];
	_ =	sdelay $0x1  }
0x8a: {  	s1 =	srdreg.scid  }
0x8b: {  	s0 =	sand.u32 $0x1, s1  }
0x8c: {  	s17 =	sshll.u32 s0, $0xA;
	s2 =	sadd.s32 s3, s2  }
0x8d: {  	s2 =	sadd.s32 s2, s17  }
0x8e: {  	[smem:$0x3FC6] =	sst s2  }
0x8f: {  	_ = 	snop  }
0x90: {  	s2 =	sld [smem:$0x3FD0];
	(tm) =	ssettm $0x1  }
0x91: {  	s18 =	sld [smem:$0x3FFB];
	_ =	sdelay $0x3  }
0x92: {  	_ =	strace s18  }
0x93: {  	s3 =	sld [smem:$0x3FFC];
	_ =	sdelay $0x3  }
0x94: {  	_ =	strace s3  }
0x95: {  	s3 =	sld [smem:$0x3FFD];
	_ =	sdelay $0x3  }
0x96: {  	_ =	strace s3  }
0x97: {  	_ =	strace $0x8FFFFFFF  }
0x98: {  	s19 =	sld [smem:$0x3FDB];
	_ =	sdelay $0x1  }
0x99: {  	s4 =	simm.s32 $_scs_section_size  }
0x9a: {  	s5 =	simm.s32 $_size__tile_overlayer_lowered;
	s6 =	simm.s32 $_tile_overlayer_lowered  }
0x9b: {  	s22 =	simm.s32 $0x1BFF;
	s21 =	sshll.u32 s6, $0x1;
	s3 =	sadd.s32 s4, s19  }
0x9c: {  	s7 =	simm.s32 $0x0;
	s20 =	sshll.u32 s5, $0x1;
	s5 =	sadd.s32 s21, s3  }
0x9d: {  	[timem:s7], [sflag:s22] =	dma.local [hbm:s5], s20  }
0x9e: {  	_ =	swait.ge [sflag:s22], s20  }
0x9f: {  	s4 =	ssub.s32 $0x0, s20;
	[sflag:s22] =	ssyncset.done $0x0  }
0xa0: {  	[sflag:s22] =	ssyncadd.s32 s4;
	_ =	sdelay $0x1  }
0xa1: {  	s23 =	simm.s32 $0x1B8B  }
0xa2: {  	_ =	swait.ge [sflag:s23], $0x1  }
0xa3: {  	[sflag:s23] =	ssyncset.done $0x0  }
0xa4: {  	s25 =	simm.s32 $0x1B8E;
	s24 =	sld [smem:$0x3FFE];
	[sflag:s23] =	ssyncadd.s32 $0xFFFFFFFF  }
0xa5: {  	s26 =	simm.s32 $execute0_lowered;
	[smem:$0x3FD2] =	sst s25  }
0xa6: {  	s5 =	sshll.u32 s26, $0x1;
	_ =	strace $0x80000046;
	[dreg:$0x1] =	wrdreg $0xFFFFFFFF  }
0xa7: {  	s28 =	simm.s32 $_size_execute0_lowered;
	s3 =	sadd.s32 s3, s5;
	[dreg:$0x0] =	wrdreg $0x0  }
0xa8: {  	s5 =	sshll.u32 s28, $0x1;
	[dreg:$0x2] =	wrdreg s3  }
0xa9: {  	[dreg:$0x3] =	wrdreg s5  }
0xaa: {  	[dreg:$0x4] =	wrdreg $0xC0  }
0xab: {  	_ =	task [dreg:s7], $0x5FFFF  }
0xac: {  	[dreg:$0x1] =	wrdreg $0xFFFFFFFF  }
0xad: {  	[dreg:$0x0] =	wrdreg $0x60  }
0xae: {  	[dreg:$0x2] =	wrdreg s24  }
0xaf: {  	[dreg:$0x3] =	wrdreg s2  }
0xb0: {  	[dreg:$0x4] =	wrdreg $0x9  }
0xb1: {  	_ =	task.clear_ibuf [dreg:s7], $0x5FFFF;
	_ =	strace $0x90000046  }
0xb2: {  	s29 =	simm.s32 $0x9;
	_ =	strace $0x80000048  }
0xb3: {  	_ =	swait.ge [sflag:s29], $0x1  }
0xb4: {  	[sflag:s29] =	ssyncadd.s32 $0xFFFFFFFF  }
0xb5: {  	_ =	strace $0x90000048  }
0xb6: {  	_ =	sfence  }
0xb7: {  	s30 =	sld [smem:$0x0];
	_ =	sdelay $0x2  }
0xb8: {  	s31 =	sshll.u32 s1, $0xD;
	s1 =	sshrl.u32 s1, $0x2  }
0xb9: {  	s3 =	sand.u32 $0x4000, s31;
	s1 =	sadd.s32 s1, s30  }
0xba: {  	s0 =	sor.u32 s3, s0;
	s1 =	sshll.u32 s1, $0x11  }
0xbb: {  	s0 =	sor.u32 s1, s0  }
0xbc: {  	s0 =	sadd.s32 $0x8F2B, s0  }
0xbd: {  	[sflag:s0] =	ssyncadd.remote.s32 $0x1  }
0xbe: {  	_ =	sfence.sel $0xFFFF  }
0xbf: {  	[dreg:$0x0] =	wrdreg $0xFFFFFFFF;
	(pc) =	sbr.abs _section_cstart, $3  }
0xc0: {  	[dreg:$0x1] =	wrdreg $0xFFFFFFFF  }
0xc1: {  	_ =	task.clear_ibuf [dreg:s7], $0x2FFFF;
	_ =	strace $0x9FFFFFFF  }
0xc2: {  	(tm) =	ssettm $0x7FFFFFFF  }
0xc3: {  	_ =	shalt  }
tec
execute0_lowered:
.L_overlay_start_1:
0x0: {  	(tag) =	ssettag $0x1  }
0x1: {  	s0 =	srdreg.scid;
	s1 =	rddreg [dreg:$0x0]  }
0x2: {  	s15 =	stileid.u32;
	s21 =	rddreg [dreg:$0x1]  }
0x3: {  	s4 =	simm.s32 $0x0;
	s30 =	simm.s32 $0x1;
	s31 =	simm.s32 $0x11F00  }
0x4: {  	s28 =	simm.s32 $0x131C0;
	s24 =	simm.s32 $0x3;
	s29 =	simm.s32 $0x320  }
0x5: {  	s0 =	sand.u32 $0x1, s0;
	s2 =	sshll.u32 s15, $0xA;
	[smem:$0x7FF] =	sst s4  }
0x6: {  	s5 =	sadd.s32 $0xF42E00, s1;
	s8 =	sadd.s32 $0x190, s21;
	s9 =	sadd.s32 $0x258, s21  }
0x7: {  	s10 =	sadd.s32 $0x320, s21;
	s11 =	sadd.s32 $0x3E8, s21;
	s12 =	sadd.s32 $0x4B0, s21  }
0x8: {  	s13 =	sadd.s32 $0x578, s21;
	s14 =	sadd.s32 $0x640, s21;
	s26 =	smul.u32 $0x32000, s15  }
0x9: {  	s15 =	sadd.s32 $0x708, s21;
	s16 =	sadd.s32 $0x7D0, s21;
	s17 =	sadd.s32 $0x898, s21  }
0xa: {  	s18 =	sadd.s32 $0x960, s21;
	s19 =	sadd.s32 $0xA28, s21;
	s3 =	sshll.u32 s0, $0x9  }
0xb: {  	s20 =	sadd.s32 $0xAF0, s21;
	s6 =	ssub.s32 $0x2, s0;
	s3 =	sor.u32 s3, s2  }
0xc: {  	_ =	strace $0x80000047;
	s7 =	sshrl.u32 s6, $0x1;
	s2 =	smul.u32 $0x7, s3  }
0xd: {  	s0 =	smul.u32 $0x19000, s0;
	s25 =	ssub.s32 s6, s7;
	s6 =	simm.s32 $0x2  }
.Ltmp0:
0xe: {  	s2 =	sadd.s32 s2, s1;
	s1 =	smax.u32 s25, $0x1;
	(pc) =	sbr.rel .LBB2_1-.Ltmp0, $4  }
0xf: {  	s7 =	simm.s32 $0x0;
	[dreg:$0x4] =	wrdreg s1;
	s1 =	sadd.s32 s26, s21  }
0x10: {  	s25 =	simm.s32 $0x7000;
	s2 =	sadd.s32 $0xA00, s2;
	s0 =	sadd.s32 s0, s1  }
0x11: {  	s21 =	sadd.s32 $0xBB8, s21;
	[dreg:$0x3] =	wrdreg s2;
	s0 =	sadd.s32 $0xC80, s0  }
0x12: {  	s1 =	simm.s32 $0x12540;
	[dreg:$0x5] =	wrdreg s0;
	s0 =	simm.s32 $0x12B80  }
.LBB2_8:
0x13: {  	s7 =	rddreg [dreg:$0x6]  }
0x14: {  	s2 =	rddreg [dreg:$0x4];
	s7 =	sadd.s32 $0x1, s7  }
0x15: {  	p0 =	sne.s32 s7, s2  }
.Ltmp1:
0x16: {  	_ = 	snop;
	(pc) =	sbr.rel @!p0 .LBB2_9-.Ltmp1, $2  }
0x17: {  	_ =	sdelay $0x2  }
0x18: {  	s25 =	simm.s32 $0x7000  }
.LBB2_1:
0x19: {  	[dreg:$0x6] =	wrdreg s7  }
0x1a: {  	s2 =	rddreg [dreg:$0x3];
	s22 =	simm.s32 $0x4  }
0x1b: {  	[tilespmem:s4], [sflag:$0x4] =	stream.linear.gather [hbm4b:s2+s4], $0x7000, $0x38;
	[tilespmem:$0x19C00] =	vst v63  }
0x1c: {  	_ =	swait.ge [sflag:s22], $0x7000  }
0x1d: {  	[sflag:s22] =	ssyncset.done $0x0  }
0x1e: {  	s23 =	simm.s32 $0x20;
	[sflag:s22] =	ssyncadd.s32 $0xFFFF9000  }
0x1f: {  	v0 =	vld [tilespmem:s23+$0xFFFFFFE0];
	_ =	sdelay $0x4  }
0x20: {  	[tilespmem:s25+$0x0] =	vst v0  }
0x21: {  	v0 =	vld [tilespmem:s23+$0xFFFFFFF0];
	_ =	sdelay $0x3  }
0x22: {  	s26 =	sand.u32 $0x7FFE, s4  }
0x23: {  	[tilespmem:s26+$0x7010] =	vst v0  }
0x24: {  	v0 =	vld [tilespmem:s23+$0x0];
	_ =	sdelay $0x4  }
0x25: {  	[tilespmem:s26+$0x7020] =	vst v0  }
0x26: {  	v0 =	vld [tilespmem:s23+$0x2];
	_ =	sdelay $0x4  }
0x27: {  	s7 =	simm.s32 $0x58;
	[tilespmem:s25+$0x22] =	vst v0  }
0x28: {  	s22 =	simm.s32 $0x7000;
	s26 =	simm.s32 $0x32;
	s23 =	simm.s32 $0x64;
	v0 =	vld [tilespmem:s7+$0xFFFFFFE0]  }
.LBB2_2:
0x29: {  	p0 =	sne.s32 s23, $0x63CE;
	_ =	sdelay $0x2  }
0x2a: {  	s22 =	sadd.s32 $0x32, s22  }
0x2b: {  	[tilespmem:s22+$0x0] =	vst v0  }
0x2c: {  	v0 =	vld [tilespmem:s7+$0xFFFFFFF0];
	_ =	sdelay $0x3  }
0x2d: {  	s2 =	sand.u32 $0x7FFE, s26;
	s26 =	smov.u32 s23  }
0x2e: {  	[tilespmem:s2+$0x7010] =	vst v0  }
0x2f: {  	v0 =	vld [tilespmem:s7+$0x0];
	_ =	sdelay $0x4  }
0x30: {  	[tilespmem:s2+$0x7020] =	vst v0  }
0x31: {  	v0 =	vld [tilespmem:s7+$0x2];
	_ =	sdelay $0x1  }
.Ltmp2:
0x32: {  	(pc) =	sbr.rel @p0 .LBB2_2-.Ltmp2, $3  }
0x33: {  	_ =	sdelay $0x1  }
0x34: {  	s7 =	sadd.s32 $0x38, s7;
	[tilespmem:s22+$0x22] =	vst v0  }
0x35: {  	s23 =	sadd.s32 $0x32, s23;
	v0 =	vld [tilespmem:s7+$0xFFFFFFE0]  }
0x36: {  	_ =	sdelay $0x2  }
0x37: {  	s2 =	sadd.s32 $0x32, s22  }
0x38: {  	[tilespmem:s2+$0x0] =	vst v0  }
0x39: {  	v0 =	vld [tilespmem:s7+$0xFFFFFFF0];
	_ =	sdelay $0x3  }
0x3a: {  	s26 =	sand.u32 $0x7FFE, s26  }
0x3b: {  	[tilespmem:s26+$0x7010] =	vst v0  }
0x3c: {  	v0 =	vld [tilespmem:s7+$0x0];
	_ =	sdelay $0x4  }
0x3d: {  	[tilespmem:s26+$0x7020] =	vst v0  }
0x3e: {  	v0 =	vld [tilespmem:s7+$0x2];
	_ =	sdelay $0x4  }
0x3f: {  	s22 =	simm.s32 $0x320;
	s23 =	simm.s32 $0xD400;
	[tilespmem:s2+$0x22] =	vst v0  }
0x40: {  	[tilespmem:s23], [sflag:$0x1] =	stream.indirect.gather [hbm4b:s5+s22], $0x20, s25, s22, $0xb8;
	[tilespmem:$0x19C00] =	vst v63  }
0x41: {  	s26 =	simm.s32 $0x13800;
	s25 =	simm.s32 $0x7320  }
0x42: {  	[tilespmem:s26], [sflag:$0x2] =	stream.indirect.gather [hbm4b:s5+s22], $0x20, s25, s22, $0xb8;
	[tilespmem:$0x19C00] =	vst v63  }
0x43: {  	s7 =	simm.s32 $0x0;
	s26 =	rddreg [dreg:$0x5]  }
.LBB2_4:
0x44: {  	s2 =	sshll.u32 s7, $0x5;
	_ =	swait.ge [sflag:s30], $0x6400  }
0x45: {  	s2 =	sor.u32 s2, s3;
	[sflag:s30] =	ssyncset.done $0x0  }
0x46: {  	s2 =	smul.u32 $0xC8, s2;
	[sflag:s30] =	ssyncadd.s32 $0xFFFF9C00  }
0x47: {  	s22 =	rddreg [dreg:$0x1]  }
0x48: {  	s23 =	simm.s32 $0xD400;
	s22 =	sadd.s32 s22, s2  }
0x49: {  	[hbm4b:s22+s4] =	stream.linear.scatter [tilespmem:s23], [sflag:$0x3], $0x640, $0x38;
	[tilespmem:$0x19C00] =	vst v63  }
0x4a: {  	s25 =	simm.s32 $0xDA40;
	s22 =	sadd.s32 $0xC8, s22  }
0x4b: {  	[hbm4b:s22+s4] =	stream.linear.scatter [tilespmem:s25], [sflag:$0x3], $0x640, $0x38;
	[tilespmem:$0x19C00] =	vst v63  }
0x4c: {  	s23 =	sadd.s32 s8, s2;
	s25 =	simm.s32 $0xE080  }
0x4d: {  	[hbm4b:s23+s4] =	stream.linear.scatter [tilespmem:s25], [sflag:$0x3], $0x640, $0x38;
	[tilespmem:$0x19C00] =	vst v63  }
0x4e: {  	s23 =	sadd.s32 s9, s2;
	s25 =	simm.s32 $0xE6C0  }
0x4f: {  	[hbm4b:s23+s4] =	stream.linear.scatter [tilespmem:s25], [sflag:$0x3], $0x640, $0x38;
	[tilespmem:$0x19C00] =	vst v63  }
0x50: {  	s23 =	sadd.s32 s10, s2;
	s25 =	simm.s32 $0xED00  }
0x51: {  	[hbm4b:s23+s4] =	stream.linear.scatter [tilespmem:s25], [sflag:$0x3], $0x640, $0x38;
	[tilespmem:$0x19C00] =	vst v63  }
0x52: {  	s23 =	sadd.s32 s11, s2;
	s25 =	simm.s32 $0xF340  }
0x53: {  	[hbm4b:s23+s4] =	stream.linear.scatter [tilespmem:s25], [sflag:$0x3], $0x640, $0x38;
	[tilespmem:$0x19C00] =	vst v63  }
0x54: {  	s23 =	sadd.s32 s12, s2;
	s25 =	simm.s32 $0xF980  }
0x55: {  	[hbm4b:s23+s4] =	stream.linear.scatter [tilespmem:s25], [sflag:$0x3], $0x640, $0x38;
	[tilespmem:$0x19C00] =	vst v63  }
0x56: {  	s23 =	sadd.s32 s13, s2;
	s25 =	simm.s32 $0xFFC0  }
0x57: {  	[hbm4b:s23+s4] =	stream.linear.scatter [tilespmem:s25], [sflag:$0x3], $0x640, $0x38;
	[tilespmem:$0x19C00] =	vst v63  }
0x58: {  	s23 =	sadd.s32 s14, s2;
	s25 =	simm.s32 $0x10600  }
0x59: {  	[hbm4b:s23+s4] =	stream.linear.scatter [tilespmem:s25], [sflag:$0x3], $0x640, $0x38;
	[tilespmem:$0x19C00] =	vst v63  }
0x5a: {  	s23 =	sadd.s32 s15, s2;
	s25 =	simm.s32 $0x10C40  }
0x5b: {  	[hbm4b:s23+s4] =	stream.linear.scatter [tilespmem:s25], [sflag:$0x3], $0x640, $0x38;
	[tilespmem:$0x19C00] =	vst v63  }
0x5c: {  	s23 =	sadd.s32 s16, s2;
	s25 =	simm.s32 $0x11280  }
0x5d: {  	[hbm4b:s23+s4] =	stream.linear.scatter [tilespmem:s25], [sflag:$0x3], $0x640, $0x38;
	[tilespmem:$0x19C00] =	vst v63  }
0x5e: {  	s23 =	sadd.s32 s17, s2;
	s25 =	simm.s32 $0x118C0  }
0x5f: {  	[hbm4b:s23+s4] =	stream.linear.scatter [tilespmem:s25], [sflag:$0x3], $0x640, $0x38;
	[tilespmem:$0x19C00] =	vst v63  }
0x60: {  	s25 =	sadd.s32 s18, s2  }
0x61: {  	[hbm4b:s25+s4] =	stream.linear.scatter [tilespmem:s31], [sflag:$0x3], $0x640, $0x38;
	[tilespmem:$0x19C00] =	vst v63  }
0x62: {  	s23 =	sadd.s32 s19, s2  }
0x63: {  	[hbm4b:s23+s4] =	stream.linear.scatter [tilespmem:s1], [sflag:$0x3], $0x640, $0x38;
	[tilespmem:$0x19C00] =	vst v63  }
0x64: {  	s25 =	sadd.s32 s20, s2  }
0x65: {  	[hbm4b:s25+s4] =	stream.linear.scatter [tilespmem:s0], [sflag:$0x3], $0x640, $0x38;
	[tilespmem:$0x19C00] =	vst v63  }
0x66: {  	s2 =	sadd.s32 s21, s2  }
0x67: {  	[hbm4b:s2+s4] =	stream.linear.scatter [tilespmem:s28], [sflag:$0x3], $0x640, $0x38;
	[tilespmem:$0x19C00] =	vst v63  }
0x68: {  	_ =	swait.ge [sflag:s24], $0x640  }
0x69: {  	[sflag:s24] =	ssyncset.done $0x0  }
0x6a: {  	[sflag:s24] =	ssyncadd.s32 $0xFFFFF9C0  }
0x6b: {  	_ =	swait.ge [sflag:s24], $0x640  }
0x6c: {  	[sflag:s24] =	ssyncset.done $0x0  }
0x6d: {  	[sflag:s24] =	ssyncadd.s32 $0xFFFFF9C0  }
0x6e: {  	_ =	swait.ge [sflag:s24], $0x640  }
0x6f: {  	[sflag:s24] =	ssyncset.done $0x0  }
0x70: {  	[sflag:s24] =	ssyncadd.s32 $0xFFFFF9C0  }
0x71: {  	_ =	swait.ge [sflag:s24], $0x640  }
0x72: {  	[sflag:s24] =	ssyncset.done $0x0  }
0x73: {  	[sflag:s24] =	ssyncadd.s32 $0xFFFFF9C0  }
0x74: {  	_ =	swait.ge [sflag:s24], $0x640  }
0x75: {  	[sflag:s24] =	ssyncset.done $0x0  }
0x76: {  	[sflag:s24] =	ssyncadd.s32 $0xFFFFF9C0  }
0x77: {  	_ =	swait.ge [sflag:s24], $0x640  }
0x78: {  	[sflag:s24] =	ssyncset.done $0x0  }
0x79: {  	[sflag:s24] =	ssyncadd.s32 $0xFFFFF9C0  }
0x7a: {  	_ =	swait.ge [sflag:s24], $0x640  }
0x7b: {  	[sflag:s24] =	ssyncset.done $0x0  }
0x7c: {  	[sflag:s24] =	ssyncadd.s32 $0xFFFFF9C0  }
0x7d: {  	_ =	swait.ge [sflag:s24], $0x640  }
0x7e: {  	[sflag:s24] =	ssyncset.done $0x0  }
0x7f: {  	[sflag:s24] =	ssyncadd.s32 $0xFFFFF9C0  }
0x80: {  	_ =	swait.ge [sflag:s24], $0x640  }
0x81: {  	[sflag:s24] =	ssyncset.done $0x0  }
0x82: {  	[sflag:s24] =	ssyncadd.s32 $0xFFFFF9C0  }
0x83: {  	_ =	swait.ge [sflag:s24], $0x640  }
0x84: {  	[sflag:s24] =	ssyncset.done $0x0  }
0x85: {  	[sflag:s24] =	ssyncadd.s32 $0xFFFFF9C0  }
0x86: {  	_ =	swait.ge [sflag:s24], $0x640  }
0x87: {  	[sflag:s24] =	ssyncset.done $0x0  }
0x88: {  	[sflag:s24] =	ssyncadd.s32 $0xFFFFF9C0  }
0x89: {  	_ =	swait.ge [sflag:s24], $0x640  }
0x8a: {  	[sflag:s24] =	ssyncset.done $0x0  }
0x8b: {  	[sflag:s24] =	ssyncadd.s32 $0xFFFFF9C0  }
0x8c: {  	_ =	swait.ge [sflag:s24], $0x640  }
0x8d: {  	[sflag:s24] =	ssyncset.done $0x0  }
0x8e: {  	[sflag:s24] =	ssyncadd.s32 $0xFFFFF9C0  }
0x8f: {  	_ =	swait.ge [sflag:s24], $0x640  }
0x90: {  	[sflag:s24] =	ssyncset.done $0x0  }
0x91: {  	[sflag:s24] =	ssyncadd.s32 $0xFFFFF9C0  }
0x92: {  	_ =	swait.ge [sflag:s24], $0x640  }
0x93: {  	p0 =	seq.s32 s7, $0xF;
	[sflag:s24] =	ssyncset.done $0x0  }
0x94: {  	s2 =	smul.u32 @!p0 $0x1900, s7;
	[sflag:s24] =	ssyncadd.s32 $0xFFFFF9C0  }
0x95: {  	_ =	swait.ge [sflag:s24], $0x640  }
0x96: {  	s22 =	simm.s32 @!p0 $0x320;
	s2 =	sshra.s32 @!p0 s2, $0x2;
	[sflag:s24] =	ssyncset.done $0x0  }
0x97: {  	s23 =	simm.s32 @!p0 $0xD400;
	s2 =	sadd.s32 @!p0 $0x7640, s2;
	[sflag:s24] =	ssyncadd.s32 $0xFFFFF9C0  }
0x98: {  	[tilespmem:s23], [sflag:$0x1] =	stream.indirect.gather @!p0 [hbm4b:s5+s22], $0x20, s2, s22, $0xb8;
	[tilespmem:$0x19C00] =	vst v63  }
0x99: {  	_ =	swait.ge [sflag:s6], $0x6400  }
0x9a: {  	s25 =	simm.s32 $0x13E40;
	s22 =	simm.s32 $0x13800;
	[sflag:s6] =	ssyncset.done $0x0  }
0x9b: {  	s23 =	simm.s32 $0xC8;
	s2 =	sadd.s32 $0x0, s26;
	[sflag:s6] =	ssyncadd.s32 $0xFFFF9C00  }
.LBB2_5:
0x9c: {  	[hbm4b:s2+s4] =	stream.linear.scatter [tilespmem:s22], [sflag:$0x3], $0x640, $0x38;
	[tilespmem:$0x19C00] =	vst v63  }
0x9d: {  	s2 =	smov.u32 s23;
	s22 =	smov.u32 s25;
	p1 =	sne.s32 s23, $0xBB8  }
.Ltmp3:
0x9e: {  	s23 =	sadd.s32 $0xC8, s23;
	(pc) =	sbr.rel @p1 .LBB2_5-.Ltmp3, $2  }
0x9f: {  	_ =	sdelay $0x2  }
0xa0: {  	s25 =	sadd.s32 $0x640, s25;
	s2 =	sadd.s32 s2, s26  }
0xa1: {  	[hbm4b:s2+s4] =	stream.linear.scatter [tilespmem:s22], [sflag:$0x3], $0x640, $0x38;
	[tilespmem:$0x19C00] =	vst v63  }
0xa2: {  	_ =	swait.ge [sflag:s24], $0x640  }
0xa3: {  	[sflag:s24] =	ssyncset.done $0x0  }
0xa4: {  	[sflag:s24] =	ssyncadd.s32 $0xFFFFF9C0  }
0xa5: {  	_ =	swait.ge [sflag:s24], $0x640  }
0xa6: {  	[sflag:s24] =	ssyncset.done $0x0  }
0xa7: {  	[sflag:s24] =	ssyncadd.s32 $0xFFFFF9C0  }
0xa8: {  	_ =	swait.ge [sflag:s24], $0x640  }
0xa9: {  	[sflag:s24] =	ssyncset.done $0x0  }
0xaa: {  	[sflag:s24] =	ssyncadd.s32 $0xFFFFF9C0  }
0xab: {  	_ =	swait.ge [sflag:s24], $0x640  }
0xac: {  	[sflag:s24] =	ssyncset.done $0x0  }
0xad: {  	[sflag:s24] =	ssyncadd.s32 $0xFFFFF9C0  }
0xae: {  	_ =	swait.ge [sflag:s24], $0x640  }
0xaf: {  	[sflag:s24] =	ssyncset.done $0x0  }
0xb0: {  	[sflag:s24] =	ssyncadd.s32 $0xFFFFF9C0  }
0xb1: {  	_ =	swait.ge [sflag:s24], $0x640  }
0xb2: {  	[sflag:s24] =	ssyncset.done $0x0  }
0xb3: {  	[sflag:s24] =	ssyncadd.s32 $0xFFFFF9C0  }
0xb4: {  	_ =	swait.ge [sflag:s24], $0x640  }
0xb5: {  	[sflag:s24] =	ssyncset.done $0x0  }
0xb6: {  	[sflag:s24] =	ssyncadd.s32 $0xFFFFF9C0  }
0xb7: {  	_ =	swait.ge [sflag:s24], $0x640  }
0xb8: {  	[sflag:s24] =	ssyncset.done $0x0  }
0xb9: {  	[sflag:s24] =	ssyncadd.s32 $0xFFFFF9C0  }
0xba: {  	_ =	swait.ge [sflag:s24], $0x640  }
0xbb: {  	[sflag:s24] =	ssyncset.done $0x0  }
0xbc: {  	[sflag:s24] =	ssyncadd.s32 $0xFFFFF9C0  }
0xbd: {  	_ =	swait.ge [sflag:s24], $0x640  }
0xbe: {  	[sflag:s24] =	ssyncset.done $0x0  }
0xbf: {  	[sflag:s24] =	ssyncadd.s32 $0xFFFFF9C0  }
0xc0: {  	_ =	swait.ge [sflag:s24], $0x640  }
0xc1: {  	[sflag:s24] =	ssyncset.done $0x0  }
0xc2: {  	[sflag:s24] =	ssyncadd.s32 $0xFFFFF9C0  }
0xc3: {  	_ =	swait.ge [sflag:s24], $0x640  }
0xc4: {  	[sflag:s24] =	ssyncset.done $0x0  }
0xc5: {  	[sflag:s24] =	ssyncadd.s32 $0xFFFFF9C0  }
0xc6: {  	_ =	swait.ge [sflag:s24], $0x640  }
0xc7: {  	[sflag:s24] =	ssyncset.done $0x0  }
0xc8: {  	[sflag:s24] =	ssyncadd.s32 $0xFFFFF9C0  }
0xc9: {  	_ =	swait.ge [sflag:s24], $0x640  }
0xca: {  	[sflag:s24] =	ssyncset.done $0x0  }
0xcb: {  	[sflag:s24] =	ssyncadd.s32 $0xFFFFF9C0  }
0xcc: {  	_ =	swait.ge [sflag:s24], $0x640  }
.Ltmp4:
0xcd: {  	[sflag:s24] =	ssyncset.done $0x0;
	(pc) =	sbr.rel @p0 .LBB2_8-.Ltmp4, $4  }
0xce: {  	[sflag:s24] =	ssyncadd.s32 $0xFFFFF9C0  }
0xcf: {  	_ =	swait.ge [sflag:s24], $0x640  }
0xd0: {  	[sflag:s24] =	ssyncset.done $0x0  }
0xd1: {  	[sflag:s24] =	ssyncadd.s32 $0xFFFFF9C0  }
0xd2: {  	s2 =	smul.u32 $0x1900, s7  }
.Ltmp5:
0xd3: {  	_ = 	snop;
	(pc) =	sbr.rel .LBB2_4-.Ltmp5, $4  }
0xd4: {  	_ = 	snop  }
0xd5: {  	s22 =	simm.s32 $0x13800;
	s2 =	sshra.s32 s2, $0x2  }
0xd6: {  	s7 =	sadd.s32 $0x1, s7;
	s26 =	sadd.s32 $0x1900, s26;
	s2 =	sadd.s32 $0x7960, s2  }
0xd7: {  	[tilespmem:s22], [sflag:$0x2] =	stream.indirect.gather [hbm4b:s5+s29], $0x20, s2, s29, $0xb8;
	[tilespmem:$0x19C00] =	vst v63  }
.LBB2_9:
0xd8: {  	_ =	sfence.sel $0x180000  }
0xd9: {  	[bflag:$0x0] =	sbarrier.arrive $0xFFFF  }
0xda: {  	_ =	strace $0x90000047  }
0xdb: {  	s0 =	stileid.u32;
	[bflag:$0x2] =	sbarrier.arrive $0xFFFF  }
0xdc: {  	p0 =	sne.s32 s0, $0x0;
	s0 =	rddreg [dreg:$0x2]  }
0xdd: {  	s0 =	sadd.s32 @!p0 $0x100000, s0  }
0xde: {  	[sflag:s0] =	ssyncadd.tile.s32 @!p0 $0x1;
	_ =	shalt  }
.Lfunc_end2:
_tile_overlayer_lowered:
.L_overlay_start_2:
0xdf: {  	(tag) =	ssettag $0x2  }
0xe0: {  	s0 =	rddreg [dreg:$0x0];
	s2 =	stileid.u32  }
0xe1: {  	s1 =	rddreg [dreg:$0x1];
	p0 =	sne.s32 s2, $0x0  }
0xe2: {  	s3 =	rddreg [dreg:$0x2];
	[bflag:$0x3] =	sbarrier.arrive $0xFFFF;
	s2 =	simm.s32 @!p0 $0x1C04  }
0xe3: {  	[timem:s3], [sflag:s2] =	dma.local @!p0 [hbm:s0], s1  }
0xe4: {  	s0 =	simm.s32 @!p0 $0x4  }
0xe5: {  	_ =	swait.ge @!p0 [sflag:s0], s1  }
0xe6: {  	s1 =	ssub.s32 @!p0 $0x0, s1;
	[sflag:s0] =	ssyncset.done @!p0 $0x0  }
0xe7: {  	[sflag:s0] =	ssyncadd.s32 @!p0 s1  }
0xe8: {  	[bflag:$0x3] =	sbarrier.arrive $0xFFFF  }
0xe9: {  	_ =	shalt  }

// kernel: sparse-core-data-format-call.cloned.1.call-start
scs
called_computation_lowered:
.L_overlay_start_0:
0x0: {  	s2 =	sld [smem:$0x3FD9]  }
0x1: {  	s3 =	sld [smem:$0x3FFE];
	_ =	sdelay $0x1  }
0x2: {  	s1 =	srdreg.scid  }
0x3: {  	s0 =	sand.u32 $0x1, s1  }
0x4: {  	s18 =	sshll.u32 s0, $0xA;
	s2 =	sadd.s32 s3, s2  }
0x5: {  	s2 =	sadd.s32 s2, s18  }
0x6: {  	[smem:$0x3FC6] =	sst s2  }
0x7: {  	_ = 	snop  }
0x8: {  	s2 =	sld [smem:$0x3FD0];
	(tm) =	ssettm $0x1  }
0x9: {  	s19 =	sld [smem:$0x3FFB];
	_ =	sdelay $0x3  }
0xa: {  	_ =	strace s19  }
0xb: {  	s3 =	sld [smem:$0x3FFC];
	_ =	sdelay $0x3  }
0xc: {  	_ =	strace s3  }
0xd: {  	s3 =	sld [smem:$0x3FFD];
	_ =	sdelay $0x3  }
0xe: {  	_ =	strace s3  }
0xf: {  	_ =	strace $0x8FFFFFFF  }
0x10: {  	s20 =	sld [smem:$0x3FDB];
	_ =	sdelay $0x1  }
0x11: {  	s4 =	simm.s32 $_scs_section_size  }
0x12: {  	s5 =	simm.s32 $_size__tile_overlayer_lowered;
	s6 =	simm.s32 $_tile_overlayer_lowered  }
0x13: {  	s23 =	simm.s32 $0x1BFF;
	s22 =	sshll.u32 s6, $0x1;
	s3 =	sadd.s32 s4, s20  }
0x14: {  	s7 =	simm.s32 $0x0;
	s21 =	sshll.u32 s5, $0x1;
	s5 =	sadd.s32 s22, s3  }
0x15: {  	[timem:s7], [sflag:s23] =	dma.local [hbm:s5], s21  }
0x16: {  	_ =	swait.ge [sflag:s23], s21  }
0x17: {  	s4 =	ssub.s32 $0x0, s21;
	[sflag:s23] =	ssyncset.done $0x0  }
0x18: {  	[sflag:s23] =	ssyncadd.s32 s4;
	_ =	sdelay $0x1  }
0x19: {  	s24 =	simm.s32 $0x1B8B  }
0x1a: {  	_ =	swait.ge [sflag:s24], $0x1  }
0x1b: {  	[sflag:s24] =	ssyncset.done $0x0  }
0x1c: {  	s26 =	simm.s32 $0x1B8E;
	s25 =	sld [smem:$0x3FFE];
	[sflag:s24] =	ssyncadd.s32 $0xFFFFFFFF  }
0x1d: {  	s27 =	simm.s32 $execute0_lowered;
	[smem:$0x3FD2] =	sst s26  }
0x1e: {  	s5 =	sshll.u32 s27, $0x1;
	_ =	strace $0x80000049;
	[dreg:$0x1] =	wrdreg $0xFFFFFFFF  }
0x1f: {  	s28 =	simm.s32 $_size_execute0_lowered;
	s3 =	sadd.s32 s3, s5;
	[dreg:$0x0] =	wrdreg $0x0  }
0x20: {  	s5 =	sshll.u32 s28, $0x1;
	[dreg:$0x2] =	wrdreg s3  }
0x21: {  	[dreg:$0x3] =	wrdreg s5  }
0x22: {  	[dreg:$0x4] =	wrdreg $0xC0  }
0x23: {  	_ =	task [dreg:s7], $0x5FFFF  }
0x24: {  	[dreg:$0x1] =	wrdreg $0xFFFFFFFF  }
0x25: {  	[dreg:$0x0] =	wrdreg $0x60  }
0x26: {  	[dreg:$0x2] =	wrdreg s25  }
0x27: {  	[dreg:$0x3] =	wrdreg s2  }
0x28: {  	[dreg:$0x4] =	wrdreg $0x9  }
0x29: {  	_ =	task.clear_ibuf [dreg:s7], $0x5FFFF;
	_ =	strace $0x90000049  }
0x2a: {  	s29 =	simm.s32 $0x9;
	_ =	strace $0x8000004B  }
0x2b: {  	_ =	swait.ge [sflag:s29], $0x1  }
0x2c: {  	[sflag:s29] =	ssyncadd.s32 $0xFFFFFFFF  }
0x2d: {  	_ =	strace $0x9000004B  }
0x2e: {  	_ =	sfence  }
0x2f: {  	s30 =	sld [smem:$0x0];
	_ =	sdelay $0x2  }
0x30: {  	s31 =	sshll.u32 s1, $0xD;
	s1 =	sshrl.u32 s1, $0x2  }
0x31: {  	s3 =	sand.u32 $0x4000, s31;
	s1 =	sadd.s32 s1, s30  }
0x32: {  	s0 =	sor.u32 s3, s0;
	s1 =	sshll.u32 s1, $0x11  }
0x33: {  	s0 =	sor.u32 s1, s0  }
0x34: {  	s0 =	sadd.s32 $0x8F2B, s0  }
0x35: {  	[sflag:s0] =	ssyncadd.remote.s32 $0x1  }
0x36: {  	_ =	sfence.sel $0xFFFF  }
0x37: {  	[dreg:$0x0] =	wrdreg $0xFFFFFFFF;
	(pc) =	sbr.abs _section_cstart, $3  }
0x38: {  	[dreg:$0x1] =	wrdreg $0xFFFFFFFF  }
0x39: {  	_ =	task.clear_ibuf [dreg:s7], $0x2FFFF;
	_ =	strace $0x9FFFFFFF  }
0x3a: {  	(tm) =	ssettm $0x7FFFFFFF  }
0x3b: {  	_ =	shalt  }
tec
execute0_lowered:
.L_overlay_start_1:
0x0: {  	(tag) =	ssettag $0x1  }
0x1: {  	s0 =	srdreg.scid  }
0x2: {  	s1 =	sshll.u32 s0, $0x4  }
0x3: {  	s0 =	stileid.u32;
	s1 =	sand.u32 $0x10, s1  }
0x4: {  	s1 =	sor.u32 s0, s1  }
0x5: {  	s6 =	rddreg [dreg:$0x0];
	s4 =	simm.s32 $0x1;
	s2 =	sshll.u32 s1, $0x7  }
0x6: {  	s7 =	simm.s32 $0x2;
	s12 =	simm.s32 $0x0;
	s1 =	ssub.s32 $0x4000, s2  }
0x7: {  	s8 =	simm.s32 $0x20000;
	s13 =	simm.s32 $0x0;
	s3 =	sand.u32 $0xF80, s1  }
0x8: {  	s9 =	simm.s32 $0x0;
	s5 =	sshrl.u32 s1, $0xC;
	p0 =	sne.s32 s3, $0x0  }
.Ltmp0:
0x9: {  	s1 =	rddreg [dreg:$0x2];
	s4 =	simm.s32 @!p0 $0x0;
	(pc) =	sbr.rel .LBB1_1-.Ltmp0, $4  }
0xa: {  	s11 =	simm.s32 $0x0;
	s3 =	rddreg [dreg:$0x1];
	s5 =	sadd.s32 s4, s5  }
0xb: {  	_ =	strace $0x8000004A;
	s4 =	simm.s32 $0x1;
	s5 =	smul.u32 $0x32, s5  }
0xc: {  	s6 =	sadd.s32 $0xA00, s6;
	s10 =	smov.u32 s2;
	[sflag:s4] =	ssyncpa.u1 $0x0  }
0xd: {  	p0 =	por $0x0, $0x0;
	[sflag:s7] =	ssyncpa.u1 $0x0;
	s7 =	sor.u32 $0x1, s5  }
.LBB1_4:
0xe: {  	s16 =	sshll.u32 s13, $0x3;
	s17 =	sand.u32 $0x78, s13  }
0xf: {  	s30 =	sand.u32 $0xF800, s13;
	s12 =	sshll.u32 s12, $0x10;
	s16 =	sand.u32 $0x3C00, s16  }
0x10: {  	s31 =	sand.u32 $0x7, s13;
	s16 =	sor.u32 s17, s16;
	s17 =	sadd.s32 s3, s30  }
0x11: {  	s13 =	sshll.u32 s31, $0x12;
	s16 =	sshrl.u32 s16, $0x3;
	s12 =	sadd.s32 s12, s17  }
0x12: {  	[tilespmem:s15+$0x0 ss:$0x81] =	vst.msk $0xffff, v0;
	s13 =	sor.u32 $0x400, s13;
	s12 =	sadd.s32 s16, s12  }
0x13: {  	[hbm4b:s12+s13] =	stream.strided.scatter [tilespmem:s14], [sflag:$0x2], $0x1000, s8, s13, $0x20;
	[tilespmem:$0x4040] =	vst v63  }
.LBB1_5:
0x14: {  	s14 =	sadd.s32 $0x1, s9  }
0x15: {  	s12 =	sadd.s32 $0x1000, s10;
	s16 =	smov.u32 s10;
	p2 =	sgt.s32 s14, $0x31  }
0x16: {  	s16 =	smov.u32 @p2 s12  }
0x17: {  	s14 =	simm.s32 @p2 $0x0;
	p2 =	sgt.s32 s16, $0x3FFF  }
0x18: {  	s16 =	smov.u32 @p2 s2;
	p2 =	sne.s32 s11, s7  }
.Ltmp1:
0x19: {  	p1 =	slt.u32 s11, $0x2;
	(pc) =	sbr.rel @!p2 .LBB1_6-.Ltmp1, $4  }
0x1a: {  	s15 =	simm.s32 @!p1 $0x2  }
0x1b: {  	s13 =	smov.u32 s10;
	p0 =	por !p0, !p0;
	_ =	swait.ge @!p1 [sflag:s15], $0x1000  }
0x1c: {  	s12 =	smov.u32 s9;
	[sflag:s15] =	ssyncset.done @!p1 $0x0;
	s9 =	smov.u32 s14  }
0x1d: {  	s11 =	sadd.s32 $0x1, s11;
	[sflag:s15] =	ssyncadd.s32 @!p1 $0xFFFFF000;
	s10 =	smov.u32 s16  }
.LBB1_1:
0x1e: {  	p1 =	sge.u32 s11, s5  }
0x1f: {  	s14 =	sand.u32 @!p1 $0x1FFFFFF, s9  }
0x20: {  	s15 =	smulhi.u32 @!p1 $0x4924925, s14;
	_ =	sdelay $0x1  }
0x21: {  	s15 =	smul.u32 @!p1 $0x38, s15  }
0x22: {  	s16 =	sxor.u32 @!p1 $0xFFFFFFFF, s11;
	s17 =	smul.u32 @!p1 $0x380, s10  }
0x23: {  	s31 =	sadd.s32 $0xFFFFFFFF, s11;
	s16 =	sshll.u32 @!p1 s16, $0xC;
	s14 =	ssub.s32 @!p1 s14, s15  }
0x24: {  	s15 =	sand.u32 @!p1 $0x1000, s16;
	s16 =	sadd.s32 @!p1 s6, s17;
	s14 =	sshll.u32 @!p1 s14, $0x4  }
0x25: {  	s17 =	simm.s32 @!p1 $0x1C00;
	s14 =	sadd.s32 @!p1 s14, s16;
	s16 =	simm.s32 @!p1 $0x20  }
0x26: {  	[tilespmem:s15], [sflag:$0x1] =	stream.strided.gather @!p1 [hbm4b:s14+s16], $0x1000, s17, s16, $0x38;
	[tilespmem:$0x4040] =	vst v63  }
0x27: {  	p1 =	sge.u32 s31, s5  }
.Ltmp2:
0x28: {  	_ = 	snop;
	(pc) =	sbr.rel @p1 .LBB1_5-.Ltmp2, $1  }
0x29: {  	_ =	sdelay $0x3  }
0x2a: {  	s14 =	simm.s32 $0x1  }
0x2b: {  	_ =	swait.ge [sflag:s4], $0x1000;
	s14 =	simm.s32 @!p0 $0x0  }
0x2c: {  	[sflag:s4] =	ssyncset.done $0x0;
	s15 =	sshll.u32 s14, $0xC  }
0x2d: {  	[sflag:s4] =	ssyncadd.s32 $0xFFFFF000;
	s18 =	sor.u32 $0x10, s15  }
0x2e: {  	s14 =	smul.u32 $0x4080, s14;
	v1 =	vld [tilespmem:s18+$0x0]  }
0x2f: {  	s30 =	sand.u32 $0x1, s11;
	v0 =	vld [tilespmem:s18+$0xFFFFFFF0]  }
0x30: {  	s15 =	smul.u32 $0x4080, s30;
	s14 =	sshrl.u32 s14, $0x2  }
0x31: {  	s16 =	sor.u32 $0x2000, s14  }
0x32: {  	s31 =	sshrl.u32 s15, $0x2;
	s15 =	sadd.s32 $0x0, s16  }
0x33: {  	s17 =	simm.s32 $0x4;
	s18 =	sadd.s32 $0x20, s18;
	s14 =	sor.u32 $0x2000, s31;
	[tilespmem:s15+$0x810 ss:$0x81] =	vst.msk $0xffff, v1  }
.LBB1_3:
0x34: {  	v1 =	vld [tilespmem:s18+$0x0];
	p1 =	sne.s32 s17, $0x1FC;
	[tilespmem:s15+$0x0 ss:$0x81] =	vst.msk $0xffff, v0;
	s15 =	smov.u32 s17;
	s17 =	sadd.s32 $0x4, s17  }
.Ltmp3:
0x35: {  	v0 =	vld [tilespmem:s18+$0xFFFFFFF0];
	(pc) =	sbr.rel @p1 .LBB1_3-.Ltmp3, $4  }
0x36: {  	_ = 	snop  }
0x37: {  	s15 =	sshra.s32 s15, $0x2  }
0x38: {  	s15 =	sadd.s32 s15, s16  }
0x39: {  	s18 =	sadd.s32 $0x20, s18;
	[tilespmem:s15+$0x810 ss:$0x81] =	vst.msk $0xffff, v1  }
.Ltmp4:
0x3a: {  	_ = 	snop;
	(pc) =	sbr.rel .LBB1_4-.Ltmp4, $1  }
0x3b: {  	_ =	sdelay $0x3  }
.LBB1_6:
0x3c: {  	_ =	sfence.sel $0x180000  }
0x3d: {  	s2 =	simm.s32 $0x1;
	[bflag:$0x0] =	sbarrier.arrive $0xFFFF  }
0x3e: {  	s31 =	simm.s32 $0x2;
	[sflag:s2] =	ssyncpa.u1 $0x1  }
0x3f: {  	[sflag:s31] =	ssyncpa.u1 $0x1  }
0x40: {  	p0 =	sne.s32 s0, $0x0;
	_ =	strace $0x9000004A  }
0x41: {  	s0 =	sadd.s32 @!p0 $0x100000, s1;
	[bflag:$0x2] =	sbarrier.arrive $0xFFFF  }
0x42: {  	[sflag:s0] =	ssyncadd.tile.s32 @!p0 $0x1;
	_ =	shalt  }
.Lfunc_end1:
_tile_overlayer_lowered:
.L_overlay_start_2:
0x43: {  	(tag) =	ssettag $0x2  }
0x44: {  	s0 =	rddreg [dreg:$0x0];
	s2 =	stileid.u32  }
0x45: {  	s1 =	rddreg [dreg:$0x1];
	p0 =	sne.s32 s2, $0x0  }
0x46: {  	s3 =	rddreg [dreg:$0x2];
	[bflag:$0x3] =	sbarrier.arrive $0xFFFF;
	s2 =	simm.s32 @!p0 $0x1C01  }
0x47: {  	[timem:s3], [sflag:s2] =	dma.local @!p0 [hbm:s0], s1  }
0x48: {  	s0 =	simm.s32 @!p0 $0x1  }
0x49: {  	_ =	swait.ge @!p0 [sflag:s0], s1  }
0x4a: {  	s1 =	ssub.s32 @!p0 $0x0, s1;
	[sflag:s0] =	ssyncset.done @!p0 $0x0  }
0x4b: {  	[sflag:s0] =	ssyncadd.s32 @!p0 s1  }
0x4c: {  	[bflag:$0x3] =	sbarrier.arrive $0xFFFF  }
0x4d: {  	_ =	shalt  }

</sc_bundles>
